<compile_context>
chip_gen: v7x
topology: tpu7x:2x2x1
jax: 0.10.2.dev20260603
libtpu: 0.0.44.dev20260713+nightly
codegen_flags: <defaults>
</compile_context>

<pallas_src>
import jax
import jax.numpy as jnp
from jax.experimental import pallas as pl

N = 10000
K = 32
D = 128
OUT = 128
BLOCK_M = 400


def _body(h_ref, hnn_ref, w1_ref, w2_ref, b_ref, o_ref):
    aggr = jnp.sum(hnn_ref[...].reshape(BLOCK_M, K, D), axis=1)
    o_ref[...] = (
        jnp.dot(h_ref[...], w1_ref[...], preferred_element_type=jnp.float32)
        + jnp.dot(aggr, w2_ref[...], preferred_element_type=jnp.float32)
        + b_ref[...]
    )


def kernel(h, h_nn, W, b):
    w1t = W[:, :D].T
    w2t = W[:, D:].T
    b2 = b.reshape(1, OUT)
    grid = (N // BLOCK_M,)
    return pl.pallas_call(
        _body,
        grid=grid,
        in_specs=[
            pl.BlockSpec((BLOCK_M, D), lambda i: (i, 0)),
            pl.BlockSpec((BLOCK_M, K * D), lambda i: (i, 0)),
            pl.BlockSpec((D, OUT), lambda i: (0, 0)),
            pl.BlockSpec((D, OUT), lambda i: (0, 0)),
            pl.BlockSpec((1, OUT), lambda i: (0, 0)),
        ],
        out_specs=pl.BlockSpec((BLOCK_M, OUT), lambda i: (i, 0)),
        out_shape=jax.ShapeDtypeStruct((N, OUT), jnp.float32),
    )(h, h_nn.reshape(N, K * D), w1t, w2t, b2)

# --- scband reference (transcript-rebuilt; emitter-appended) ---
"""Pipeline reference for scband-sage-37374805410602 (READ-ONLY COPY).

The authoritative reference and input builder live on the scoring server;
editing this copy changes nothing except your own understanding.
"""

import jax, jax.numpy as jnp
import numpy as np

N = 10000
K = 32
D = 128
OUT = 128

def setup_inputs(seed: int = 0) -> dict:
    key = jax.random.key(seed)
    k1, k2, k3, k4 = jax.random.split(key, 4)
    h = jax.random.normal(k1, (N, D), dtype=jnp.float32)
    h_nn = jax.random.normal(k2, (N, K, D), dtype=jnp.float32)
    # nn.Linear(2*input_dim, output_dim): weight [out, 2*in], bias [out]
    bound = 1.0 / np.sqrt(2 * D)
    W = jax.random.uniform(k3, (OUT, 2 * D), dtype=jnp.float32, minval=-bound, maxval=bound)
    b = jax.random.uniform(k4, (OUT,), dtype=jnp.float32, minval=-bound, maxval=bound)
    return {"h": h, "h_nn": h_nn, "W": W, "b": b}

def reference(h, h_nn, W, b):
    # dropout_p=0.0 -> identity (and dropout is unused in forward anyway)
    h_nn_aggr = jnp.sum(h_nn, axis=1)
    cat = jnp.concatenate([h, h_nn_aggr], axis=-1)
    h_out = cat @ W.T + b
    return h_out

if __name__ == "__main__":
    import jax
    _d = setup_inputs()
    print(jax.jit(kernel)(*tuple(_d.values())))

</pallas_src>

<mosaic_0001>
module attributes {stable_mosaic.version = 14 : i64} {
  func.func @_body(%arg0: i32, %arg1: memref<400x128xf32, #tpu.memory_space<vmem>>, %arg2: memref<400x4096xf32, #tpu.memory_space<vmem>>, %arg3: memref<128x128xf32, #tpu.memory_space<vmem>>, %arg4: memref<128x128xf32, #tpu.memory_space<vmem>>, %arg5: memref<1x128xf32, #tpu.memory_space<vmem>>, %arg6: memref<400x128xf32, #tpu.memory_space<vmem>>) attributes {dimension_semantics = [#tpu.dimension_semantics<arbitrary>], iteration_bounds = array<i64: 25>, scalar_prefetch = 0 : i64, scratch_operands = 0 : i64, tpu.core_type = #tpu.core_type<tc>, window_params = [{transform_indices = @transform_0, window_bounds = array<i64: 400, 128>}, {transform_indices = @transform_1, window_bounds = array<i64: 400, 4096>}, {pipeline_mode = #tpu.pipeline_mode<synchronous>, transform_indices = @transform_2, window_bounds = array<i64: 128, 128>}, {pipeline_mode = #tpu.pipeline_mode<synchronous>, transform_indices = @transform_3, window_bounds = array<i64: 128, 128>}, {pipeline_mode = #tpu.pipeline_mode<synchronous>, transform_indices = @transform_4, window_bounds = array<i64: 1, 128>}, {transform_indices = @transform_5, window_bounds = array<i64: 400, 128>}]} {
    %get3A = arith.constant 0 : index
    %get3A_0 = arith.constant 0 : index
    %get3A_1 = vector.load %arg2[%get3A, %get3A_0] : memref<400x4096xf32, #tpu.memory_space<vmem>>, vector<400x4096xf32>
    %reshape3A = vector.shape_cast %get3A_1 : vector<400x4096xf32> to vector<400x32x128xf32>
    %reduce_sum3A = arith.constant dense<0.000000e+00> : vector<400x128xf32>
    %reduce_sum3A_2 = vector.multi_reduction <add>, %reshape3A, %reduce_sum3A [1] : vector<400x32x128xf32> to vector<400x128xf32>
    %get3A_3 = arith.constant 0 : index
    %get3A_4 = arith.constant 0 : index
    %get3A_5 = vector.load %arg1[%get3A_3, %get3A_4] : memref<400x128xf32, #tpu.memory_space<vmem>>, vector<400x128xf32>
    %get3A_6 = arith.constant 0 : index
    %get3A_7 = arith.constant 0 : index
    %get3A_8 = vector.load %arg3[%get3A_6, %get3A_7] : memref<128x128xf32, #tpu.memory_space<vmem>>, vector<128x128xf32>
    %dot_general3A = arith.constant dense<0.000000e+00> : vector<400x128xf32>
    %dot_general3A_9 = tpu.matmul %get3A_5, %get3A_8, %dot_general3A {dimension_numbers = #tpu.dot_dimension_numbers<[1], [0], [0], [1], [0, 0, 1, 1], [], []>, transpose_lhs_hint = false} : vector<400x128xf32>, vector<128x128xf32>, vector<400x128xf32> -> vector<400x128xf32>
    %get3A_10 = arith.constant 0 : index
    %get3A_11 = arith.constant 0 : index
    %get3A_12 = vector.load %arg4[%get3A_10, %get3A_11] : memref<128x128xf32, #tpu.memory_space<vmem>>, vector<128x128xf32>
    %dot_general3A_13 = arith.constant dense<0.000000e+00> : vector<400x128xf32>
    %dot_general3A_14 = tpu.matmul %reduce_sum3A_2, %get3A_12, %dot_general3A_13 {dimension_numbers = #tpu.dot_dimension_numbers<[1], [0], [0], [1], [0, 0, 1, 1], [], []>, transpose_lhs_hint = false} : vector<400x128xf32>, vector<128x128xf32>, vector<400x128xf32> -> vector<400x128xf32>
    %add3A = arith.addf %dot_general3A_9, %dot_general3A_14 : vector<400x128xf32>
    %get3A_15 = arith.constant 0 : index
    %get3A_16 = arith.constant 0 : index
    %get3A_17 = vector.load %arg5[%get3A_15, %get3A_16] : memref<1x128xf32, #tpu.memory_space<vmem>>, vector<1x128xf32>
    %add3A_18 = vector.broadcast %get3A_17 : vector<1x128xf32> to vector<400x128xf32>
    %add3A_19 = arith.addf %add3A, %add3A_18 : vector<400x128xf32>
    %swap3A = arith.constant 0 : index
    %swap3A_20 = arith.constant 0 : index
    %swap3A_21 = vector.load %arg6[%swap3A, %swap3A_20] : memref<400x128xf32, #tpu.memory_space<vmem>>, vector<400x128xf32>
    tpu.vector_store %arg6[%swap3A, %swap3A_20], %add3A_19 {strides = array<i32>} : memref<400x128xf32, #tpu.memory_space<vmem>>, vector<400x128xf32>,
    return
  }
  func.func @transform_0(%arg0: i32) -> (i32, i32) {
    %c0_i32 = arith.constant 0 : i32
    %c0_i32_0 = arith.constant 0 : i32
    return %arg0, %c0_i32 : i32, i32
  }
  func.func @transform_1(%arg0: i32) -> (i32, i32) {
    %c0_i32 = arith.constant 0 : i32
    %c0_i32_0 = arith.constant 0 : i32
    return %arg0, %c0_i32 : i32, i32
  }
  func.func @transform_2(%arg0: i32) -> (i32, i32) {
    %c0_i32 = arith.constant 0 : i32
    %c0_i32_0 = arith.constant 0 : i32
    %c0_i32_1 = arith.constant 0 : i32
    return %c0_i32, %c0_i32_0 : i32, i32
  }
  func.func @transform_3(%arg0: i32) -> (i32, i32) {
    %c0_i32 = arith.constant 0 : i32
    %c0_i32_0 = arith.constant 0 : i32
    %c0_i32_1 = arith.constant 0 : i32
    return %c0_i32, %c0_i32_0 : i32, i32
  }
  func.func @transform_4(%arg0: i32) -> (i32, i32) {
    %c0_i32 = arith.constant 0 : i32
    %c0_i32_0 = arith.constant 0 : i32
    %c0_i32_1 = arith.constant 0 : i32
    return %c0_i32, %c0_i32_0 : i32, i32
  }
  func.func @transform_5(%arg0: i32) -> (i32, i32) {
    %c0_i32 = arith.constant 0 : i32
    %c0_i32_0 = arith.constant 0 : i32
    return %arg0, %c0_i32 : i32, i32
  }
}

</mosaic_0001>

<sc_bundles>
// kernel: sparse-core-data-format-call.cloned.1.call-start
scs
called_computation_lowered:
.L_overlay_start_0:
0x0: {  	s2 =	sld [smem:$0x3FD9]  }
0x1: {  	s3 =	sld [smem:$0x3FFE];
	_ =	sdelay $0x1  }
0x2: {  	s1 =	srdreg.scid  }
0x3: {  	s0 =	sand.u32 $0x1, s1  }
0x4: {  	s18 =	sshll.u32 s0, $0xA;
	s2 =	sadd.s32 s3, s2  }
0x5: {  	s2 =	sadd.s32 s2, s18  }
0x6: {  	[smem:$0x3FC4] =	sst s2  }
0x7: {  	_ = 	snop  }
0x8: {  	s2 =	sld [smem:$0x3FC8];
	(tm) =	ssettm $0x1  }
0x9: {  	s19 =	sld [smem:$0x3FFB];
	_ =	sdelay $0x3  }
0xa: {  	_ =	strace s19  }
0xb: {  	s3 =	sld [smem:$0x3FFC];
	_ =	sdelay $0x3  }
0xc: {  	_ =	strace s3  }
0xd: {  	s3 =	sld [smem:$0x3FFD];
	_ =	sdelay $0x3  }
0xe: {  	_ =	strace s3  }
0xf: {  	_ =	strace $0x8FFFFFFF  }
0x10: {  	s20 =	sld [smem:$0x3FDB];
	_ =	sdelay $0x1  }
0x11: {  	s4 =	simm.s32 $_scs_section_size  }
0x12: {  	s5 =	simm.s32 $_size__tile_overlayer_lowered;
	s6 =	simm.s32 $_tile_overlayer_lowered  }
0x13: {  	s23 =	simm.s32 $0x1BFF;
	s22 =	sshll.u32 s6, $0x1;
	s3 =	sadd.s32 s4, s20  }
0x14: {  	s7 =	simm.s32 $0x0;
	s21 =	sshll.u32 s5, $0x1;
	s5 =	sadd.s32 s22, s3  }
0x15: {  	[timem:s7], [sflag:s23] =	dma.local [hbm:s5], s21  }
0x16: {  	_ =	swait.ge [sflag:s23], s21  }
0x17: {  	s4 =	ssub.s32 $0x0, s21;
	[sflag:s23] =	ssyncset.done $0x0  }
0x18: {  	[sflag:s23] =	ssyncadd.s32 s4;
	_ =	sdelay $0x1  }
0x19: {  	s24 =	simm.s32 $0x1B8B  }
0x1a: {  	_ =	swait.ge [sflag:s24], $0x1  }
0x1b: {  	[sflag:s24] =	ssyncset.done $0x0  }
0x1c: {  	s26 =	simm.s32 $0x1B8E;
	s25 =	sld [smem:$0x3FFE];
	[sflag:s24] =	ssyncadd.s32 $0xFFFFFFFF  }
0x1d: {  	s27 =	simm.s32 $execute0_lowered;
	[smem:$0x3FD2] =	sst s26  }
0x1e: {  	s5 =	sshll.u32 s27, $0x1;
	_ =	strace $0x80000046;
	[dreg:$0x1] =	wrdreg $0xFFFFFFFF  }
0x1f: {  	s28 =	simm.s32 $_size_execute0_lowered;
	s3 =	sadd.s32 s3, s5;
	[dreg:$0x0] =	wrdreg $0x0  }
0x20: {  	s5 =	sshll.u32 s28, $0x1;
	[dreg:$0x2] =	wrdreg s3  }
0x21: {  	[dreg:$0x3] =	wrdreg s5  }
0x22: {  	[dreg:$0x4] =	wrdreg $0xC0  }
0x23: {  	_ =	task [dreg:s7], $0x5FFFF  }
0x24: {  	[dreg:$0x1] =	wrdreg $0xFFFFFFFF  }
0x25: {  	[dreg:$0x0] =	wrdreg $0x60  }
0x26: {  	[dreg:$0x2] =	wrdreg s2  }
0x27: {  	[dreg:$0x3] =	wrdreg s25  }
0x28: {  	[dreg:$0x4] =	wrdreg $0x9  }
0x29: {  	_ =	task.clear_ibuf [dreg:s7], $0x5FFFF;
	_ =	strace $0x90000046  }
0x2a: {  	s29 =	simm.s32 $0x9;
	_ =	strace $0x80000048  }
0x2b: {  	_ =	swait.ge [sflag:s29], $0x1  }
0x2c: {  	[sflag:s29] =	ssyncadd.s32 $0xFFFFFFFF  }
0x2d: {  	_ =	strace $0x90000048  }
0x2e: {  	_ =	sfence  }
0x2f: {  	s30 =	sld [smem:$0x0];
	_ =	sdelay $0x2  }
0x30: {  	s31 =	sshll.u32 s1, $0xD;
	s1 =	sshrl.u32 s1, $0x2  }
0x31: {  	s3 =	sand.u32 $0x4000, s31;
	s1 =	sadd.s32 s1, s30  }
0x32: {  	s0 =	sor.u32 s3, s0;
	s1 =	sshll.u32 s1, $0x11  }
0x33: {  	s0 =	sor.u32 s1, s0  }
0x34: {  	s0 =	sadd.s32 $0x8F2B, s0  }
0x35: {  	[sflag:s0] =	ssyncadd.remote.s32 $0x1  }
0x36: {  	_ =	sfence.sel $0xFFFF  }
0x37: {  	[dreg:$0x0] =	wrdreg $0xFFFFFFFF;
	(pc) =	sbr.abs _section_cstart, $3  }
0x38: {  	[dreg:$0x1] =	wrdreg $0xFFFFFFFF  }
0x39: {  	_ =	task.clear_ibuf [dreg:s7], $0x2FFFF;
	_ =	strace $0x9FFFFFFF  }
0x3a: {  	(tm) =	ssettm $0x7FFFFFFF  }
0x3b: {  	_ =	shalt  }
tec
execute0_lowered:
.L_overlay_start_1:
0x0: {  	(tag) =	ssettag $0x1  }
0x1: {  	s0 =	srdreg.scid;
	s6 =	rddreg [dreg:$0x0]  }
0x2: {  	s5 =	rddreg [dreg:$0x1];
	s1 =	stileid.u32;
	s30 =	simm.s32 $0x2  }
0x3: {  	s13 =	simm.s32 $0x0;
	s9 =	simm.s32 $0x400;
	s0 =	sshll.u32 s0, $0x2  }
0x4: {  	s10 =	simm.s32 $0x0;
	s14 =	simm.s32 $0x0;
	s2 =	sand.u32 $0x4, s0  }
0x5: {  	s11 =	stileid.u32;
	s12 =	simm.s32 $0x0;
	s3 =	ssub.s32 $0x8, s2  }
0x6: {  	s7 =	ssub.s32 $0x4F1, s1;
	s0 =	rddreg [dreg:$0x2];
	s4 =	sshrl.u32 s3, $0x2  }
.Ltmp0:
0x7: {  	s8 =	sshrl.u32 s3, $0x3;
	s4 =	sand.u32 $0x1, s4;
	(pc) =	sbr.rel .LBB1_1-.Ltmp0, $4  }
0x8: {  	_ =	strace $0x80000047;
	s7 =	sshrl.u32 s7, $0x4;
	s4 =	sadd.s32 s8, s4  }
0x9: {  	s31 =	sshll.u32 s2, $0x9;
	s3 =	simm.s32 $0x1;
	s4 =	smul.u32 s7, s4  }
0xa: {  	s5 =	sadd.s32 $0xC00, s5;
	s6 =	sadd.s32 s6, s31;
	[sflag:s3] =	ssyncpa.u1 $0x0  }
0xb: {  	[sflag:s30] =	ssyncpa.u1 $0x0;
	s8 =	simm.s32 $0x200;
	s7 =	sadd.s32 $0x1, s4  }
.LBB1_7:
0xc: {  	s15 =	sadd.s32 $0x10, s11  }
0xd: {  	p1 =	sgt.s32 s15, $0x4E1  }
0xe: {  	s15 =	smov.u32 @p1 s1;
	p1 =	sne.s32 s12, s7  }
.Ltmp1:
0xf: {  	p0 =	slt.u32 s12, $0x2;
	(pc) =	sbr.rel @!p1 .LBB1_8-.Ltmp1, $4  }
0x10: {  	s13 =	simm.s32 @!p0 $0x2  }
0x11: {  	s16 =	sadd.s32 $0x1, s12;
	s14 =	smov.u32 s11;
	_ =	swait.ge @!p0 [sflag:s13], $0x4000  }
0x12: {  	s10 =	sadd.s32 $0x4000, s10;
	s12 =	smov.u32 s16;
	[sflag:s13] =	ssyncset.done @!p0 $0x0  }
0x13: {  	s11 =	smov.u32 s15;
	[sflag:s13] =	ssyncadd.s32 @!p0 $0xFFFFC000;
	s13 =	smov.u32 s2  }
.LBB1_1:
0x14: {  	p0 =	sge.u32 s12, s4  }
0x15: {  	s15 =	sxor.u32 @!p0 $0xFFFFFFFF, s12  }
0x16: {  	s31 =	sadd.s32 $0xFFFFFFFF, s12;
	s16 =	sshll.u32 @!p0 s11, $0xC;
	s15 =	sshll.u32 @!p0 s15, $0xE  }
0x17: {  	s17 =	simm.s32 @!p0 $0x0;
	s16 =	sadd.s32 @!p0 s16, s6;
	s15 =	sand.u32 @!p0 $0x4000, s15  }
0x18: {  	[tilespmem:s15], [sflag:$0x1] =	stream.linear.gather @!p0 [hbm4b:s16+s17], $0x4000, $0x38;
	[tilespmem:$0x10000] =	vst v63  }
0x19: {  	p0 =	sge.u32 s31, s4  }
.Ltmp2:
0x1a: {  	_ = 	snop;
	(pc) =	sbr.rel @p0 .LBB1_7-.Ltmp2, $1  }
0x1b: {  	_ =	sdelay $0x3  }
0x1c: {  	s16 =	sand.u32 $0x4000, s10  }
0x1d: {  	_ =	swait.ge [sflag:s3], $0x4000;
	s18 =	sshll.u32 s12, $0xE;
	s15 =	sor.u32 $0x8040, s16  }
0x1e: {  	s17 =	sor.u32 $0x40, s16;
	[sflag:s3] =	ssyncset.done $0x0;
	s31 =	sand.u32 $0x4000, s18  }
0x1f: {  	s18 =	simm.s32 $0x0;
	[sflag:s3] =	ssyncadd.s32 $0xFFFFC000;
	s16 =	sor.u32 $0x8000, s31  }
.LBB1_3:
0x20: {  	v0 =	vmov s17;
	_ =	sdelay $0x3  }
0x21: {  	s20 =	simm.s32 $0x0  }
0x22: {  	v6 =	vld.idx.msk [tilespmem:v0+s20+$0x30 ss:$0x1], $0xffff  }
0x23: {  	v7 =	vld.idx.msk [tilespmem:v0+s20+$0xFFFFFFC0 ss:$0x1], $0xffff  }
0x24: {  	v5 =	vld.idx.msk [tilespmem:v0+s20+$0xFFFFFFD0 ss:$0x1], $0xffff  }
0x25: {  	v4 =	vld.idx.msk [tilespmem:v0+s20+$0xFFFFFFE0 ss:$0x1], $0xffff  }
0x26: {  	v3 =	vld.idx.msk [tilespmem:v0+s20+$0xFFFFFFF0 ss:$0x1], $0xffff  }
0x27: {  	v1 =	vld.idx.msk [tilespmem:v0+s20+$0x0 ss:$0x1], $0xffff  }
0x28: {  	v2 =	vld.idx.msk [tilespmem:v0+s20+$0x10 ss:$0x1], $0xffff;
	[tilespmem:s15+$0x30] =	vst v6  }
0x29: {  	s19 =	simm.s32 $0x80;
	s21 =	simm.s32 $0x400;
	[tilespmem:s15+$0xFFFFFFC0] =	vst v7;
	v6 =	vld.idx.msk [tilespmem:v0+s20+$0x20 ss:$0x1], $0xffff;
	s20 =	smov.u32 s15  }
.LBB1_4:
0x2a: {  	p0 =	sne.s32 s21, $0x3E00;
	v7 =	vld.idx.msk [tilespmem:v0+s19+$0x30 ss:$0x1], $0xffff;
	[tilespmem:s20+$0xFFFFFFD0] =	vst v5  }
0x2b: {  	v8 =	vld.idx.msk [tilespmem:v0+s19+$0xFFFFFFC0 ss:$0x1], $0xffff;
	[tilespmem:s20+$0xFFFFFFE0] =	vst v4  }
0x2c: {  	v5 =	vld.idx.msk [tilespmem:v0+s19+$0xFFFFFFD0 ss:$0x1], $0xffff;
	[tilespmem:s20+$0xFFFFFFF0] =	vst v3  }
.Ltmp3:
0x2d: {  	v4 =	vld.idx.msk [tilespmem:v0+s19+$0xFFFFFFE0 ss:$0x1], $0xffff;
	[tilespmem:s20+$0x0] =	vst v1;
	(pc) =	sbr.rel @p0 .LBB1_4-.Ltmp3, $4  }
0x2e: {  	v3 =	vld.idx.msk [tilespmem:v0+s19+$0xFFFFFFF0 ss:$0x1], $0xffff;
	[tilespmem:s20+$0x10] =	vst v2  }
0x2f: {  	v1 =	vld.idx.msk [tilespmem:v0+s19+$0x0 ss:$0x1], $0xffff;
	[tilespmem:s20+$0x20] =	vst v6;
	s20 =	sadd.s32 $0x200, s20  }
0x30: {  	v2 =	vld.idx.msk [tilespmem:v0+s19+$0x10 ss:$0x1], $0xffff;
	[tilespmem:s20+$0x30] =	vst v7  }
0x31: {  	[tilespmem:s20+$0xFFFFFFC0] =	vst v8;
	v6 =	vld.idx.msk [tilespmem:v0+s19+$0x20 ss:$0x1], $0xffff;
	s19 =	sshra.s32 s21, $0x2;
	s21 =	sadd.s32 $0x200, s21  }
0x32: {  	_ =	sdelay $0x2  }
0x33: {  	[tilespmem:s20+$0xFFFFFFD0] =	vst v5  }
0x34: {  	v56 =	vld.idx.msk [tilespmem:v0+s19+$0x30 ss:$0x1], $0xffff;
	[tilespmem:s20+$0xFFFFFFE0] =	vst v4  }
0x35: {  	v57 =	vld.idx.msk [tilespmem:v0+s19+$0xFFFFFFC0 ss:$0x1], $0xffff;
	[tilespmem:s20+$0xFFFFFFF0] =	vst v3  }
0x36: {  	v58 =	vld.idx.msk [tilespmem:v0+s19+$0xFFFFFFD0 ss:$0x1], $0xffff;
	[tilespmem:s20+$0x0] =	vst v1  }
0x37: {  	v59 =	vld.idx.msk [tilespmem:v0+s19+$0xFFFFFFE0 ss:$0x1], $0xffff;
	[tilespmem:s20+$0x10] =	vst v2  }
0x38: {  	v60 =	vld.idx.msk [tilespmem:v0+s19+$0xFFFFFFF0 ss:$0x1], $0xffff;
	s31 =	sadd.s32 $0x200, s20;
	[tilespmem:s20+$0x20] =	vst v6  }
0x39: {  	v61 =	vld.idx.msk [tilespmem:v0+s19+$0x0 ss:$0x1], $0xffff;
	[tilespmem:s31+$0x30] =	vst v56  }
0x3a: {  	v62 =	vld.idx.msk [tilespmem:v0+s19+$0x10 ss:$0x1], $0xffff;
	s18 =	sadd.s32 $0x1, s18;
	[tilespmem:s31+$0xFFFFFFC0] =	vst v57  }
0x3b: {  	v63 =	vld.idx.msk [tilespmem:v0+s19+$0x20 ss:$0x1], $0xffff;
	p0 =	sne.s32 s18, $0x4;
	[tilespmem:s31+$0xFFFFFFD0] =	vst v58  }
.Ltmp4:
0x3c: {  	[tilespmem:s31+$0xFFFFFFE0] =	vst v59;
	(pc) =	sbr.rel @p0 .LBB1_3-.Ltmp4, $4  }
0x3d: {  	[tilespmem:s31+$0xFFFFFFF0] =	vst v60  }
0x3e: {  	[tilespmem:s31+$0x0] =	vst v61  }
0x3f: {  	[tilespmem:s31+$0x10] =	vst v62  }
0x40: {  	s15 =	sadd.s32 $0x80, s15;
	s17 =	sadd.s32 $0x1000, s17;
	[tilespmem:s31+$0x20] =	vst v63  }
.Ltmp5:
0x41: {  	(pc) =	sbr.rel .LBB1_7-.Ltmp5, $4  }
0x42: {  	s14 =	sshll.u32 s14, $0xC  }
0x43: {  	s13 =	sshll.u32 s13, $0x4;
	s14 =	sadd.s32 s5, s14  }
0x44: {  	s13 =	sadd.s32 s13, s14  }
0x45: {  	[hbm4b:s13+s8] =	stream.strided.scatter [tilespmem:s16], [sflag:$0x2], $0x4000, s9, s8, $0x38;
	[tilespmem:$0x10000] =	vst v63  }
.LBB1_8:
0x46: {  	_ =	sfence.sel $0x180000  }
0x47: {  	s2 =	simm.s32 $0x1;
	[bflag:$0x0] =	sbarrier.arrive $0xFFFF  }
0x48: {  	s31 =	simm.s32 $0x2;
	[sflag:s2] =	ssyncpa.u1 $0x1  }
0x49: {  	[sflag:s31] =	ssyncpa.u1 $0x1  }
0x4a: {  	p0 =	sne.s32 s1, $0x0;
	_ =	strace $0x90000047  }
0x4b: {  	s0 =	sadd.s32 @!p0 $0x100000, s0;
	[bflag:$0x2] =	sbarrier.arrive $0xFFFF  }
0x4c: {  	[sflag:s0] =	ssyncadd.tile.s32 @!p0 $0x1;
	_ =	shalt  }
.Lfunc_end1:
_tile_overlayer_lowered:
.L_overlay_start_2:
0x4d: {  	(tag) =	ssettag $0x2  }
0x4e: {  	s0 =	rddreg [dreg:$0x0];
	s2 =	stileid.u32  }
0x4f: {  	s1 =	rddreg [dreg:$0x1];
	p0 =	sne.s32 s2, $0x0  }
0x50: {  	s3 =	rddreg [dreg:$0x2];
	[bflag:$0x3] =	sbarrier.arrive $0xFFFF;
	s2 =	simm.s32 @!p0 $0x1C01  }
0x51: {  	[timem:s3], [sflag:s2] =	dma.local @!p0 [hbm:s0], s1  }
0x52: {  	s0 =	simm.s32 @!p0 $0x1  }
0x53: {  	_ =	swait.ge @!p0 [sflag:s0], s1  }
0x54: {  	s1 =	ssub.s32 @!p0 $0x0, s1;
	[sflag:s0] =	ssyncset.done @!p0 $0x0  }
0x55: {  	[sflag:s0] =	ssyncadd.s32 @!p0 s1  }
0x56: {  	[bflag:$0x3] =	sbarrier.arrive $0xFFFF  }
0x57: {  	_ =	shalt  }

</sc_bundles>
